<compile_context>
chip_gen: v7x
topology: tpu7x:2x2x1
jax: 0.10.2.dev20260603
libtpu: 0.0.44.dev20260713+nightly
codegen_flags: <defaults>
</compile_context>

<pallas_src>
import functools

import jax
import jax.numpy as jnp
from jax import lax
from jax.experimental import pallas as pl
from jax.experimental.pallas import tpu as pltpu
from jax.experimental.pallas import tpu_sc as plsc

_NC, _NS = 2, 16
_NW = _NC * _NS
_B = 16384
_BPW = _B // _NW
_H = _BPW // 2
_D = 64
_P = 2 * _D
_V = 1000000
_EPS = 1e-10

_mesh = plsc.VectorSubcoreMesh(core_axis_name="c", subcore_axis_name="s")


@functools.partial(
    pl.kernel,
    out_type=[jax.ShapeDtypeStruct((_B, _P), jnp.float32),
              jax.ShapeDtypeStruct((_B, _P), jnp.float32)],
    mesh=_mesh,
    compiler_params=pltpu.CompilerParams(
        needs_layout_passes=False, use_tc_tiling_on_sc=True),
    scratch_types=[
        pltpu.VMEM((_BPW,), jnp.int32),
        pltpu.VMEM((_BPW,), jnp.int32),
        pltpu.VMEM((_H, _P), jnp.float32),
        pltpu.VMEM((_H, _P), jnp.float32),
        pltpu.SemaphoreType.DMA,
        pltpu.SemaphoreType.DMA,
        pltpu.SemaphoreType.DMA,
    ],
)
def _gather_sc(b1_hbm, b2_hbm, emb2_hbm, o1_hbm, o2_hbm,
               idx1_v, idx2_v, rows1_v, rows2_v, sem1, sem2, wsem):
    wid = lax.axis_index("s") * _NC + lax.axis_index("c")
    base = wid * _BPW
    pltpu.sync_copy(b1_hbm.at[pl.ds(base, _BPW)], idx1_v)
    pltpu.sync_copy(b2_hbm.at[pl.ds(base, _BPW)], idx2_v)
    for h in range(_BPW // _H):
        g1 = [pltpu.async_copy(
            emb2_hbm.at[idx1_v.at[pl.ds(h * _H + j * 128, 128)]],
            rows1_v.at[pl.ds(j * 128, 128)], sem1)
            for j in range(_H // 128)]
        g2 = [pltpu.async_copy(
            emb2_hbm.at[idx2_v.at[pl.ds(h * _H + j * 128, 128)]],
            rows2_v.at[pl.ds(j * 128, 128)], sem2)
            for j in range(_H // 128)]
        for c in g1:
            c.wait()
        w1 = pltpu.async_copy(
            rows1_v, o1_hbm.at[pl.ds(base + h * _H, _H)], wsem)
        for c in g2:
            c.wait()
        w2 = pltpu.async_copy(
            rows2_v, o2_hbm.at[pl.ds(base + h * _H, _H)], wsem)
        w1.wait()
        w2.wait()


_RB = 8192
_NRB = _V // _RB


def _pack_tc(src_ref, dst_ref):
    dst_ref[...] = src_ref[...].reshape(_RB // 2, _P)


def _pack_pairs(embeddings):
    return pl.pallas_call(
        _pack_tc,
        grid=(_NRB,),
        in_specs=[pl.BlockSpec((_RB, _D), lambda i: (i, 0))],
        out_specs=pl.BlockSpec((_RB // 2, _P), lambda i: (i, 0)),
        out_shape=jax.ShapeDtypeStruct((_V // 2, _P), jnp.float32),
    )(embeddings)


_BB = 2048
_NB = _B // _BB


def _loss_tc(e1_ref, e2_ref, h1_ref, h2_ref, rel_ref, gt_ref, w_ref,
             out_ref):
    i = pl.program_id(0)
    h1 = (h1_ref[...] == 1)
    h2 = (h2_ref[...] == 1)
    e1 = jnp.where(h1, e1_ref[:, _D:], e1_ref[:, :_D])
    e2 = jnp.where(h2, e2_ref[:, _D:], e2_ref[:, :_D])
    w = jax.nn.sigmoid(w_ref[...])
    p = e1 * e2
    s = lax.dot_general(p, w, (((1,), (1,)), ((), ())),
                        preferred_element_type=jnp.float32)
    col = lax.broadcasted_iota(jnp.int32, s.shape, 1)
    acc = jnp.sum(jnp.where(col == rel_ref[...], s, 0.0),
                  axis=1, keepdims=True)
    pred = jax.nn.sigmoid(acc)
    gt = gt_ref[...]
    loss = -(gt * jnp.log(pred + _EPS)
             + (1.0 - gt) * jnp.log(1.0 - pred + _EPS))
    part = jnp.sum(loss, keepdims=True).reshape(1, 1)

    @pl.when(i == 0)
    def _init():
        out_ref[...] = part

    @pl.when(i != 0)
    def _acc():
        out_ref[...] += part


def kernel(attr1, attr2, rel, ground_truth, embeddings, relation_embedding):
    a1 = attr1.astype(jnp.int32)
    a2 = attr2.astype(jnp.int32)
    emb2 = embeddings.reshape(_V // 2, _P)
    e1p, e2p = _gather_sc(a1 >> 1, a2 >> 1, emb2)
    h1 = (a1 & 1).reshape(_B, 1)
    h2 = (a2 & 1).reshape(_B, 1)
    rel2 = rel.astype(jnp.int32).reshape(_B, 1)
    gt2 = ground_truth.reshape(_B, 1)
    out = pl.pallas_call(
        _loss_tc,
        grid=(_NB,),
        in_specs=[
            pl.BlockSpec((_BB, _P), lambda i: (i, 0)),
            pl.BlockSpec((_BB, _P), lambda i: (i, 0)),
            pl.BlockSpec((_BB, 1), lambda i: (i, 0)),
            pl.BlockSpec((_BB, 1), lambda i: (i, 0)),
            pl.BlockSpec((_BB, 1), lambda i: (i, 0)),
            pl.BlockSpec((_BB, 1), lambda i: (i, 0)),
            pl.BlockSpec((_D, _D), lambda i: (0, 0)),
        ],
        out_specs=pl.BlockSpec((1, 1), lambda i: (0, 0)),
        out_shape=jax.ShapeDtypeStruct((1, 1), jnp.float32),
    )(e1p, e2p, h1, h2, rel2, gt2, relation_embedding)
    return out[0, 0]

# --- scband reference (transcript-rebuilt; emitter-appended) ---
"""Pipeline reference for scband-hin2-vec-model-89292370084200 (READ-ONLY COPY).

The authoritative reference and input builder live on the scoring server;
editing this copy changes nothing except your own understanding.
"""

import jax, jax.numpy as jnp
import numpy as np
import math

EPS = 1e-10
B = 16384
V = 1000000
R = 64
D = 64

def setup_inputs(seed: int = 0):
    key = jax.random.key(seed)
    k1, k2, k3, k4, k5, k6 = jax.random.split(key, 6)
    attr1 = jax.random.randint(k1, (B,), 0, V)
    attr2 = jax.random.randint(k2, (B,), 0, V)
    rel = jax.random.randint(k3, (B,), 0, R)
    ground_truth = jax.random.uniform(k4, (B,), dtype=jnp.float32)
    std = 1.0 / math.sqrt(V)
    embeddings = jax.random.normal(k5, (V, D), dtype=jnp.float32) * std
    relation_embedding = jax.random.normal(k6, (R, D), dtype=jnp.float32) * std
    return {"attr1": attr1, "attr2": attr2, "rel": rel, "ground_truth": ground_truth, "embeddings": embeddings, "relation_embedding": relation_embedding}

def reference(attr1, attr2, rel, ground_truth, embeddings, relation_embedding):
    emb_attr1 = jnp.take(embeddings, attr1, axis=0)
    emb_attr2 = jnp.take(embeddings, attr2, axis=0)
    emb_rel = jnp.take(relation_embedding, rel, axis=0)
    sig_encoded_rel = jax.nn.sigmoid(emb_rel)
    pred = jax.nn.sigmoid(jnp.sum(emb_attr1 * emb_attr2 * sig_encoded_rel, axis=1))
    loss = -1.0 * (ground_truth * jnp.log(pred + EPS) + (1.0 - ground_truth) * jnp.log(1.0 - pred + EPS))
    loss1 = jnp.sum(loss)
    return loss1

if __name__ == "__main__":
    import jax
    _d = setup_inputs()
    print(jax.jit(kernel)(*tuple(_d.values())))

</pallas_src>

<mosaic_0001>
#map = affine_map<(d0, d1) -> (0)>
#map1 = affine_map<(d0, d1) -> (0, 0)>
module attributes {stable_mosaic.version = 14 : i64} {
  func.func @_gather_sc(%arg0: i32, %arg1: i32, %arg2: memref<16384xi32, #tpu.memory_space<hbm>>, %arg3: memref<16384xi32, #tpu.memory_space<hbm>>, %arg4: memref<500000x128xf32, #tpu.memory_space<hbm>>, %arg5: memref<16384x128xf32, #tpu.memory_space<hbm>>, %arg6: memref<16384x128xf32, #tpu.memory_space<hbm>>, %arg7: memref<512xi32, #tpu.memory_space<vmem>>, %arg8: memref<512xi32, #tpu.memory_space<vmem>>, %arg9: memref<256x128xf32, #tpu.memory_space<vmem>>, %arg10: memref<256x128xf32, #tpu.memory_space<vmem>>, %arg11: memref<!tpu.dma_semaphore, #tpu.memory_space<semaphore_mem>>, %arg12: memref<!tpu.dma_semaphore, #tpu.memory_space<semaphore_mem>>, %arg13: memref<!tpu.dma_semaphore, #tpu.memory_space<semaphore_mem>>) attributes {dimension_semantics = [#tpu.dimension_semantics<core_parallel>, #tpu.dimension_semantics<subcore_parallel>], iteration_bounds = array<i64: 2, 16>, scalar_prefetch = 0 : i64, scratch_operands = 7 : i64, tpu.core_type = #tpu.core_type<sc_vector_subcore>, window_params = [{transform_indices = #map}, {transform_indices = #map}, {transform_indices = #map1}, {transform_indices = #map1}, {transform_indices = #map1}]} {
    %mul3A = arith.constant 2 : i32
    %mul3A_0 = arith.muli %arg1, %mul3A : i32
    %add3A = arith.addi %mul3A_0, %arg0 : i32
    %mul3A_1 = arith.constant 512 : i32
    %mul3A_2 = arith.muli %add3A, %mul3A_1 : i32
    "tpu.region"() ({
      %run_scoped3A = tpu.sem_alloc : memref<!tpu.dma_semaphore, #tpu.memory_space<semaphore_mem>>
      %dma_start3A_169 = tpu.memref_slice %arg2[%mul3A_2] : memref<16384xi32, #tpu.memory_space<hbm>> -> memref<512xi32, #tpu.memory_space<hbm>>
      %dma_start3A_170 = tpu.memref_slice %arg2[%mul3A_2] : memref<16384xi32, #tpu.memory_space<hbm>> -> memref<512xi32, #tpu.memory_space<hbm>>
      tpu.enqueue_dma source(%dma_start3A_170 : memref<512xi32, #tpu.memory_space<hbm>>) target(%arg7 : memref<512xi32, #tpu.memory_space<vmem>>) target_semaphore(%run_scoped3A : memref<!tpu.dma_semaphore, #tpu.memory_space<semaphore_mem>>)
      %dma_wait3A_171 = tpu.memref_slice %arg2[%mul3A_2] : memref<16384xi32, #tpu.memory_space<hbm>> -> memref<512xi32, #tpu.memory_space<hbm>>
      %dma_wait3A_172 = tpu.memref_slice %arg2[%mul3A_2] : memref<16384xi32, #tpu.memory_space<hbm>> -> memref<512xi32, #tpu.memory_space<hbm>>
      tpu.wait_dma2 semaphore(%run_scoped3A : memref<!tpu.dma_semaphore, #tpu.memory_space<semaphore_mem>>) src(%dma_wait3A_172 : memref<512xi32, #tpu.memory_space<hbm>>) dst(%arg7 : memref<512xi32, #tpu.memory_space<vmem>>)
      tpu.yield
    }) : () -> ()
    "tpu.region"() ({
      %run_scoped3A = tpu.sem_alloc : memref<!tpu.dma_semaphore, #tpu.memory_space<semaphore_mem>>
      %dma_start3A_169 = tpu.memref_slice %arg3[%mul3A_2] : memref<16384xi32, #tpu.memory_space<hbm>> -> memref<512xi32, #tpu.memory_space<hbm>>
      %dma_start3A_170 = tpu.memref_slice %arg3[%mul3A_2] : memref<16384xi32, #tpu.memory_space<hbm>> -> memref<512xi32, #tpu.memory_space<hbm>>
      tpu.enqueue_dma source(%dma_start3A_170 : memref<512xi32, #tpu.memory_space<hbm>>) target(%arg8 : memref<512xi32, #tpu.memory_space<vmem>>) target_semaphore(%run_scoped3A : memref<!tpu.dma_semaphore, #tpu.memory_space<semaphore_mem>>)
      %dma_wait3A_171 = tpu.memref_slice %arg3[%mul3A_2] : memref<16384xi32, #tpu.memory_space<hbm>> -> memref<512xi32, #tpu.memory_space<hbm>>
      %dma_wait3A_172 = tpu.memref_slice %arg3[%mul3A_2] : memref<16384xi32, #tpu.memory_space<hbm>> -> memref<512xi32, #tpu.memory_space<hbm>>
      tpu.wait_dma2 semaphore(%run_scoped3A : memref<!tpu.dma_semaphore, #tpu.memory_space<semaphore_mem>>) src(%dma_wait3A_172 : memref<512xi32, #tpu.memory_space<hbm>>) dst(%arg8 : memref<512xi32, #tpu.memory_space<vmem>>)
      tpu.yield
    }) : () -> ()
    %dma_start3A = arith.constant 0 : i32
    %dma_start3A_3 = arith.constant 0 : i32
    %dma_start3A_4 = tpu.memref_slice %arg9[%dma_start3A, %dma_start3A_3] : memref<256x128xf32, #tpu.memory_space<vmem>> -> memref<128x128xf32, #tpu.memory_space<vmem>>
    %dma_start3A_5 = arith.constant 0 : i32
    %dma_start3A_6 = tpu.memref_slice %arg7[%dma_start3A_5] : memref<512xi32, #tpu.memory_space<vmem>> -> memref<128xi32, #tpu.memory_space<vmem>>
    %dma_start3A_7 = arith.constant 0 : i32
    %dma_start3A_8 = arith.constant 0 : i32
    %dma_start3A_9 = tpu.memref_slice %arg4[%dma_start3A_7, %dma_start3A_8] : memref<500000x128xf32, #tpu.memory_space<hbm>> -> memref<500000x128xf32, #tpu.memory_space<hbm>>
    tpu.enqueue_indirect_dma source(%dma_start3A_9 : memref<500000x128xf32, #tpu.memory_space<hbm>>) target(%dma_start3A_4 : memref<128x128xf32, #tpu.memory_space<vmem>>) offsets(%dma_start3A_6 : memref<128xi32, #tpu.memory_space<vmem>>) semaphore(%arg11 : memref<!tpu.dma_semaphore, #tpu.memory_space<semaphore_mem>>)
    %dma_start3A_10 = arith.constant 128 : i32
    %dma_start3A_11 = arith.constant 0 : i32
    %dma_start3A_12 = tpu.memref_slice %arg9[%dma_start3A_10, %dma_start3A_11] : memref<256x128xf32, #tpu.memory_space<vmem>> -> memref<128x128xf32, #tpu.memory_space<vmem>>
    %dma_start3A_13 = arith.constant 128 : i32
    %dma_start3A_14 = tpu.memref_slice %arg7[%dma_start3A_13] : memref<512xi32, #tpu.memory_space<vmem>> -> memref<128xi32, #tpu.memory_space<vmem>>
    %dma_start3A_15 = arith.constant 0 : i32
    %dma_start3A_16 = arith.constant 0 : i32
    %dma_start3A_17 = tpu.memref_slice %arg4[%dma_start3A_15, %dma_start3A_16] : memref<500000x128xf32, #tpu.memory_space<hbm>> -> memref<500000x128xf32, #tpu.memory_space<hbm>>
    tpu.enqueue_indirect_dma source(%dma_start3A_17 : memref<500000x128xf32, #tpu.memory_space<hbm>>) target(%dma_start3A_12 : memref<128x128xf32, #tpu.memory_space<vmem>>) offsets(%dma_start3A_14 : memref<128xi32, #tpu.memory_space<vmem>>) semaphore(%arg11 : memref<!tpu.dma_semaphore, #tpu.memory_space<semaphore_mem>>)
    %dma_start3A_18 = arith.constant 0 : i32
    %dma_start3A_19 = arith.constant 0 : i32
    %dma_start3A_20 = tpu.memref_slice %arg10[%dma_start3A_18, %dma_start3A_19] : memref<256x128xf32, #tpu.memory_space<vmem>> -> memref<128x128xf32, #tpu.memory_space<vmem>>
    %dma_start3A_21 = arith.constant 0 : i32
    %dma_start3A_22 = tpu.memref_slice %arg8[%dma_start3A_21] : memref<512xi32, #tpu.memory_space<vmem>> -> memref<128xi32, #tpu.memory_space<vmem>>
    %dma_start3A_23 = arith.constant 0 : i32
    %dma_start3A_24 = arith.constant 0 : i32
    %dma_start3A_25 = tpu.memref_slice %arg4[%dma_start3A_23, %dma_start3A_24] : memref<500000x128xf32, #tpu.memory_space<hbm>> -> memref<500000x128xf32, #tpu.memory_space<hbm>>
    tpu.enqueue_indirect_dma source(%dma_start3A_25 : memref<500000x128xf32, #tpu.memory_space<hbm>>) target(%dma_start3A_20 : memref<128x128xf32, #tpu.memory_space<vmem>>) offsets(%dma_start3A_22 : memref<128xi32, #tpu.memory_space<vmem>>) semaphore(%arg12 : memref<!tpu.dma_semaphore, #tpu.memory_space<semaphore_mem>>)
    %dma_start3A_26 = arith.constant 128 : i32
    %dma_start3A_27 = arith.constant 0 : i32
    %dma_start3A_28 = tpu.memref_slice %arg10[%dma_start3A_26, %dma_start3A_27] : memref<256x128xf32, #tpu.memory_space<vmem>> -> memref<128x128xf32, #tpu.memory_space<vmem>>
    %dma_start3A_29 = arith.constant 128 : i32
    %dma_start3A_30 = tpu.memref_slice %arg8[%dma_start3A_29] : memref<512xi32, #tpu.memory_space<vmem>> -> memref<128xi32, #tpu.memory_space<vmem>>
    %dma_start3A_31 = arith.constant 0 : i32
    %dma_start3A_32 = arith.constant 0 : i32
    %dma_start3A_33 = tpu.memref_slice %arg4[%dma_start3A_31, %dma_start3A_32] : memref<500000x128xf32, #tpu.memory_space<hbm>> -> memref<500000x128xf32, #tpu.memory_space<hbm>>
    tpu.enqueue_indirect_dma source(%dma_start3A_33 : memref<500000x128xf32, #tpu.memory_space<hbm>>) target(%dma_start3A_28 : memref<128x128xf32, #tpu.memory_space<vmem>>) offsets(%dma_start3A_30 : memref<128xi32, #tpu.memory_space<vmem>>) semaphore(%arg12 : memref<!tpu.dma_semaphore, #tpu.memory_space<semaphore_mem>>)
    %dma_wait3A = arith.constant 0 : i32
    %dma_wait3A_34 = arith.constant 0 : i32
    %dma_wait3A_35 = tpu.memref_slice %arg9[%dma_wait3A, %dma_wait3A_34] : memref<256x128xf32, #tpu.memory_space<vmem>> -> memref<128x128xf32, #tpu.memory_space<vmem>>
    %dma_wait3A_36 = arith.constant 0 : i32
    %dma_wait3A_37 = tpu.memref_slice %arg7[%dma_wait3A_36] : memref<512xi32, #tpu.memory_space<vmem>> -> memref<128xi32, #tpu.memory_space<vmem>>
    %dma_wait3A_38 = arith.constant 0 : i32
    %dma_wait3A_39 = arith.constant 0 : i32
    %dma_wait3A_40 = tpu.memref_slice %arg4[%dma_wait3A_38, %dma_wait3A_39] : memref<500000x128xf32, #tpu.memory_space<hbm>> -> memref<500000x128xf32, #tpu.memory_space<hbm>>
    tpu.wait_indirect_dma semaphore(%arg11 : memref<!tpu.dma_semaphore, #tpu.memory_space<semaphore_mem>>) src(%dma_wait3A_40 : memref<500000x128xf32, #tpu.memory_space<hbm>>) dst(%dma_wait3A_35 : memref<128x128xf32, #tpu.memory_space<vmem>>)
    %dma_wait3A_41 = arith.constant 128 : i32
    %dma_wait3A_42 = arith.constant 0 : i32
    %dma_wait3A_43 = tpu.memref_slice %arg9[%dma_wait3A_41, %dma_wait3A_42] : memref<256x128xf32, #tpu.memory_space<vmem>> -> memref<128x128xf32, #tpu.memory_space<vmem>>
    %dma_wait3A_44 = arith.constant 128 : i32
    %dma_wait3A_45 = tpu.memref_slice %arg7[%dma_wait3A_44] : memref<512xi32, #tpu.memory_space<vmem>> -> memref<128xi32, #tpu.memory_space<vmem>>
    %dma_wait3A_46 = arith.constant 0 : i32
    %dma_wait3A_47 = arith.constant 0 : i32
    %dma_wait3A_48 = tpu.memref_slice %arg4[%dma_wait3A_46, %dma_wait3A_47] : memref<500000x128xf32, #tpu.memory_space<hbm>> -> memref<500000x128xf32, #tpu.memory_space<hbm>>
    tpu.wait_indirect_dma semaphore(%arg11 : memref<!tpu.dma_semaphore, #tpu.memory_space<semaphore_mem>>) src(%dma_wait3A_48 : memref<500000x128xf32, #tpu.memory_space<hbm>>) dst(%dma_wait3A_43 : memref<128x128xf32, #tpu.memory_space<vmem>>)
    %add3A_49 = arith.constant 0 : i32
    %add3A_50 = arith.addi %mul3A_2, %add3A_49 : i32
    %dma_start3A_51 = arith.constant 0 : i32
    %dma_start3A_52 = tpu.memref_slice %arg5[%add3A_50, %dma_start3A_51] : memref<16384x128xf32, #tpu.memory_space<hbm>> -> memref<256x128xf32, #tpu.memory_space<hbm>>
    %dma_start3A_53 = arith.constant 0 : i32
    %dma_start3A_54 = tpu.memref_slice %arg5[%add3A_50, %dma_start3A_53] : memref<16384x128xf32, #tpu.memory_space<hbm>> -> memref<256x128xf32, #tpu.memory_space<hbm>>
    tpu.enqueue_dma source(%arg9 : memref<256x128xf32, #tpu.memory_space<vmem>>) target(%dma_start3A_54 : memref<256x128xf32, #tpu.memory_space<hbm>>) target_semaphore(%arg13 : memref<!tpu.dma_semaphore, #tpu.memory_space<semaphore_mem>>)
    %dma_wait3A_55 = arith.constant 0 : i32
    %dma_wait3A_56 = arith.constant 0 : i32
    %dma_wait3A_57 = tpu.memref_slice %arg10[%dma_wait3A_55, %dma_wait3A_56] : memref<256x128xf32, #tpu.memory_space<vmem>> -> memref<128x128xf32, #tpu.memory_space<vmem>>
    %dma_wait3A_58 = arith.constant 0 : i32
    %dma_wait3A_59 = tpu.memref_slice %arg8[%dma_wait3A_58] : memref<512xi32, #tpu.memory_space<vmem>> -> memref<128xi32, #tpu.memory_space<vmem>>
    %dma_wait3A_60 = arith.constant 0 : i32
    %dma_wait3A_61 = arith.constant 0 : i32
    %dma_wait3A_62 = tpu.memref_slice %arg4[%dma_wait3A_60, %dma_wait3A_61] : memref<500000x128xf32, #tpu.memory_space<hbm>> -> memref<500000x128xf32, #tpu.memory_space<hbm>>
    tpu.wait_indirect_dma semaphore(%arg12 : memref<!tpu.dma_semaphore, #tpu.memory_space<semaphore_mem>>) src(%dma_wait3A_62 : memref<500000x128xf32, #tpu.memory_space<hbm>>) dst(%dma_wait3A_57 : memref<128x128xf32, #tpu.memory_space<vmem>>)
    %dma_wait3A_63 = arith.constant 128 : i32
    %dma_wait3A_64 = arith.constant 0 : i32
    %dma_wait3A_65 = tpu.memref_slice %arg10[%dma_wait3A_63, %dma_wait3A_64] : memref<256x128xf32, #tpu.memory_space<vmem>> -> memref<128x128xf32, #tpu.memory_space<vmem>>
    %dma_wait3A_66 = arith.constant 128 : i32
    %dma_wait3A_67 = tpu.memref_slice %arg8[%dma_wait3A_66] : memref<512xi32, #tpu.memory_space<vmem>> -> memref<128xi32, #tpu.memory_space<vmem>>
    %dma_wait3A_68 = arith.constant 0 : i32
    %dma_wait3A_69 = arith.constant 0 : i32
    %dma_wait3A_70 = tpu.memref_slice %arg4[%dma_wait3A_68, %dma_wait3A_69] : memref<500000x128xf32, #tpu.memory_space<hbm>> -> memref<500000x128xf32, #tpu.memory_space<hbm>>
    tpu.wait_indirect_dma semaphore(%arg12 : memref<!tpu.dma_semaphore, #tpu.memory_space<semaphore_mem>>) src(%dma_wait3A_70 : memref<500000x128xf32, #tpu.memory_space<hbm>>) dst(%dma_wait3A_65 : memref<128x128xf32, #tpu.memory_space<vmem>>)
    %add3A_71 = arith.constant 0 : i32
    %add3A_72 = arith.addi %mul3A_2, %add3A_71 : i32
    %dma_start3A_73 = arith.constant 0 : i32
    %dma_start3A_74 = tpu.memref_slice %arg6[%add3A_72, %dma_start3A_73] : memref<16384x128xf32, #tpu.memory_space<hbm>> -> memref<256x128xf32, #tpu.memory_space<hbm>>
    %dma_start3A_75 = arith.constant 0 : i32
    %dma_start3A_76 = tpu.memref_slice %arg6[%add3A_72, %dma_start3A_75] : memref<16384x128xf32, #tpu.memory_space<hbm>> -> memref<256x128xf32, #tpu.memory_space<hbm>>
    tpu.enqueue_dma source(%arg10 : memref<256x128xf32, #tpu.memory_space<vmem>>) target(%dma_start3A_76 : memref<256x128xf32, #tpu.memory_space<hbm>>) target_semaphore(%arg13 : memref<!tpu.dma_semaphore, #tpu.memory_space<semaphore_mem>>)
    %dma_wait3A_77 = arith.constant 0 : i32
    %dma_wait3A_78 = tpu.memref_slice %arg5[%add3A_50, %dma_wait3A_77] : memref<16384x128xf32, #tpu.memory_space<hbm>> -> memref<256x128xf32, #tpu.memory_space<hbm>>
    %dma_wait3A_79 = arith.constant 0 : i32
    %dma_wait3A_80 = tpu.memref_slice %arg5[%add3A_50, %dma_wait3A_79] : memref<16384x128xf32, #tpu.memory_space<hbm>> -> memref<256x128xf32, #tpu.memory_space<hbm>>
    tpu.wait_dma2 semaphore(%arg13 : memref<!tpu.dma_semaphore, #tpu.memory_space<semaphore_mem>>) src(%arg9 : memref<256x128xf32, #tpu.memory_space<vmem>>) dst(%dma_wait3A_80 : memref<256x128xf32, #tpu.memory_space<hbm>>)
    %dma_wait3A_81 = arith.constant 0 : i32
    %dma_wait3A_82 = tpu.memref_slice %arg6[%add3A_72, %dma_wait3A_81] : memref<16384x128xf32, #tpu.memory_space<hbm>> -> memref<256x128xf32, #tpu.memory_space<hbm>>
    %dma_wait3A_83 = arith.constant 0 : i32
    %dma_wait3A_84 = tpu.memref_slice %arg6[%add3A_72, %dma_wait3A_83] : memref<16384x128xf32, #tpu.memory_space<hbm>> -> memref<256x128xf32, #tpu.memory_space<hbm>>
    tpu.wait_dma2 semaphore(%arg13 : memref<!tpu.dma_semaphore, #tpu.memory_space<semaphore_mem>>) src(%arg10 : memref<256x128xf32, #tpu.memory_space<vmem>>) dst(%dma_wait3A_84 : memref<256x128xf32, #tpu.memory_space<hbm>>)
    %dma_start3A_85 = arith.constant 0 : i32
    %dma_start3A_86 = arith.constant 0 : i32
    %dma_start3A_87 = tpu.memref_slice %arg9[%dma_start3A_85, %dma_start3A_86] : memref<256x128xf32, #tpu.memory_space<vmem>> -> memref<128x128xf32, #tpu.memory_space<vmem>>
    %dma_start3A_88 = arith.constant 256 : i32
    %dma_start3A_89 = tpu.memref_slice %arg7[%dma_start3A_88] : memref<512xi32, #tpu.memory_space<vmem>> -> memref<128xi32, #tpu.memory_space<vmem>>
    %dma_start3A_90 = arith.constant 0 : i32
    %dma_start3A_91 = arith.constant 0 : i32
    %dma_start3A_92 = tpu.memref_slice %arg4[%dma_start3A_90, %dma_start3A_91] : memref<500000x128xf32, #tpu.memory_space<hbm>> -> memref<500000x128xf32, #tpu.memory_space<hbm>>
    tpu.enqueue_indirect_dma source(%dma_start3A_92 : memref<500000x128xf32, #tpu.memory_space<hbm>>) target(%dma_start3A_87 : memref<128x128xf32, #tpu.memory_space<vmem>>) offsets(%dma_start3A_89 : memref<128xi32, #tpu.memory_space<vmem>>) semaphore(%arg11 : memref<!tpu.dma_semaphore, #tpu.memory_space<semaphore_mem>>)
    %dma_start3A_93 = arith.constant 128 : i32
    %dma_start3A_94 = arith.constant 0 : i32
    %dma_start3A_95 = tpu.memref_slice %arg9[%dma_start3A_93, %dma_start3A_94] : memref<256x128xf32, #tpu.memory_space<vmem>> -> memref<128x128xf32, #tpu.memory_space<vmem>>
    %dma_start3A_96 = arith.constant 384 : i32
    %dma_start3A_97 = tpu.memref_slice %arg7[%dma_start3A_96] : memref<512xi32, #tpu.memory_space<vmem>> -> memref<128xi32, #tpu.memory_space<vmem>>
    %dma_start3A_98 = arith.constant 0 : i32
    %dma_start3A_99 = arith.constant 0 : i32
    %dma_start3A_100 = tpu.memref_slice %arg4[%dma_start3A_98, %dma_start3A_99] : memref<500000x128xf32, #tpu.memory_space<hbm>> -> memref<500000x128xf32, #tpu.memory_space<hbm>>
    tpu.enqueue_indirect_dma source(%dma_start3A_100 : memref<500000x128xf32, #tpu.memory_space<hbm>>) target(%dma_start3A_95 : memref<128x128xf32, #tpu.memory_space<vmem>>) offsets(%dma_start3A_97 : memref<128xi32, #tpu.memory_space<vmem>>) semaphore(%arg11 : memref<!tpu.dma_semaphore, #tpu.memory_space<semaphore_mem>>)
    %dma_start3A_101 = arith.constant 0 : i32
    %dma_start3A_102 = arith.constant 0 : i32
    %dma_start3A_103 = tpu.memref_slice %arg10[%dma_start3A_101, %dma_start3A_102] : memref<256x128xf32, #tpu.memory_space<vmem>> -> memref<128x128xf32, #tpu.memory_space<vmem>>
    %dma_start3A_104 = arith.constant 256 : i32
    %dma_start3A_105 = tpu.memref_slice %arg8[%dma_start3A_104] : memref<512xi32, #tpu.memory_space<vmem>> -> memref<128xi32, #tpu.memory_space<vmem>>
    %dma_start3A_106 = arith.constant 0 : i32
    %dma_start3A_107 = arith.constant 0 : i32
    %dma_start3A_108 = tpu.memref_slice %arg4[%dma_start3A_106, %dma_start3A_107] : memref<500000x128xf32, #tpu.memory_space<hbm>> -> memref<500000x128xf32, #tpu.memory_space<hbm>>
    tpu.enqueue_indirect_dma source(%dma_start3A_108 : memref<500000x128xf32, #tpu.memory_space<hbm>>) target(%dma_start3A_103 : memref<128x128xf32, #tpu.memory_space<vmem>>) offsets(%dma_start3A_105 : memref<128xi32, #tpu.memory_space<vmem>>) semaphore(%arg12 : memref<!tpu.dma_semaphore, #tpu.memory_space<semaphore_mem>>)
    %dma_start3A_109 = arith.constant 128 : i32
    %dma_start3A_110 = arith.constant 0 : i32
    %dma_start3A_111 = tpu.memref_slice %arg10[%dma_start3A_109, %dma_start3A_110] : memref<256x128xf32, #tpu.memory_space<vmem>> -> memref<128x128xf32, #tpu.memory_space<vmem>>
    %dma_start3A_112 = arith.constant 384 : i32
    %dma_start3A_113 = tpu.memref_slice %arg8[%dma_start3A_112] : memref<512xi32, #tpu.memory_space<vmem>> -> memref<128xi32, #tpu.memory_space<vmem>>
    %dma_start3A_114 = arith.constant 0 : i32
    %dma_start3A_115 = arith.constant 0 : i32
    %dma_start3A_116 = tpu.memref_slice %arg4[%dma_start3A_114, %dma_start3A_115] : memref<500000x128xf32, #tpu.memory_space<hbm>> -> memref<500000x128xf32, #tpu.memory_space<hbm>>
    tpu.enqueue_indirect_dma source(%dma_start3A_116 : memref<500000x128xf32, #tpu.memory_space<hbm>>) target(%dma_start3A_111 : memref<128x128xf32, #tpu.memory_space<vmem>>) offsets(%dma_start3A_113 : memref<128xi32, #tpu.memory_space<vmem>>) semaphore(%arg12 : memref<!tpu.dma_semaphore, #tpu.memory_space<semaphore_mem>>)
    %dma_wait3A_117 = arith.constant 0 : i32
    %dma_wait3A_118 = arith.constant 0 : i32
    %dma_wait3A_119 = tpu.memref_slice %arg9[%dma_wait3A_117, %dma_wait3A_118] : memref<256x128xf32, #tpu.memory_space<vmem>> -> memref<128x128xf32, #tpu.memory_space<vmem>>
    %dma_wait3A_120 = arith.constant 256 : i32
    %dma_wait3A_121 = tpu.memref_slice %arg7[%dma_wait3A_120] : memref<512xi32, #tpu.memory_space<vmem>> -> memref<128xi32, #tpu.memory_space<vmem>>
    %dma_wait3A_122 = arith.constant 0 : i32
    %dma_wait3A_123 = arith.constant 0 : i32
    %dma_wait3A_124 = tpu.memref_slice %arg4[%dma_wait3A_122, %dma_wait3A_123] : memref<500000x128xf32, #tpu.memory_space<hbm>> -> memref<500000x128xf32, #tpu.memory_space<hbm>>
    tpu.wait_indirect_dma semaphore(%arg11 : memref<!tpu.dma_semaphore, #tpu.memory_space<semaphore_mem>>) src(%dma_wait3A_124 : memref<500000x128xf32, #tpu.memory_space<hbm>>) dst(%dma_wait3A_119 : memref<128x128xf32, #tpu.memory_space<vmem>>)
    %dma_wait3A_125 = arith.constant 128 : i32
    %dma_wait3A_126 = arith.constant 0 : i32
    %dma_wait3A_127 = tpu.memref_slice %arg9[%dma_wait3A_125, %dma_wait3A_126] : memref<256x128xf32, #tpu.memory_space<vmem>> -> memref<128x128xf32, #tpu.memory_space<vmem>>
    %dma_wait3A_128 = arith.constant 384 : i32
    %dma_wait3A_129 = tpu.memref_slice %arg7[%dma_wait3A_128] : memref<512xi32, #tpu.memory_space<vmem>> -> memref<128xi32, #tpu.memory_space<vmem>>
    %dma_wait3A_130 = arith.constant 0 : i32
    %dma_wait3A_131 = arith.constant 0 : i32
    %dma_wait3A_132 = tpu.memref_slice %arg4[%dma_wait3A_130, %dma_wait3A_131] : memref<500000x128xf32, #tpu.memory_space<hbm>> -> memref<500000x128xf32, #tpu.memory_space<hbm>>
    tpu.wait_indirect_dma semaphore(%arg11 : memref<!tpu.dma_semaphore, #tpu.memory_space<semaphore_mem>>) src(%dma_wait3A_132 : memref<500000x128xf32, #tpu.memory_space<hbm>>) dst(%dma_wait3A_127 : memref<128x128xf32, #tpu.memory_space<vmem>>)
    %add3A_133 = arith.constant 256 : i32
    %add3A_134 = arith.addi %mul3A_2, %add3A_133 : i32
    %dma_start3A_135 = arith.constant 0 : i32
    %dma_start3A_136 = tpu.memref_slice %arg5[%add3A_134, %dma_start3A_135] : memref<16384x128xf32, #tpu.memory_space<hbm>> -> memref<256x128xf32, #tpu.memory_space<hbm>>
    %dma_start3A_137 = arith.constant 0 : i32
    %dma_start3A_138 = tpu.memref_slice %arg5[%add3A_134, %dma_start3A_137] : memref<16384x128xf32, #tpu.memory_space<hbm>> -> memref<256x128xf32, #tpu.memory_space<hbm>>
    tpu.enqueue_dma source(%arg9 : memref<256x128xf32, #tpu.memory_space<vmem>>) target(%dma_start3A_138 : memref<256x128xf32, #tpu.memory_space<hbm>>) target_semaphore(%arg13 : memref<!tpu.dma_semaphore, #tpu.memory_space<semaphore_mem>>)
    %dma_wait3A_139 = arith.constant 0 : i32
    %dma_wait3A_140 = arith.constant 0 : i32
    %dma_wait3A_141 = tpu.memref_slice %arg10[%dma_wait3A_139, %dma_wait3A_140] : memref<256x128xf32, #tpu.memory_space<vmem>> -> memref<128x128xf32, #tpu.memory_space<vmem>>
    %dma_wait3A_142 = arith.constant 256 : i32
    %dma_wait3A_143 = tpu.memref_slice %arg8[%dma_wait3A_142] : memref<512xi32, #tpu.memory_space<vmem>> -> memref<128xi32, #tpu.memory_space<vmem>>
    %dma_wait3A_144 = arith.constant 0 : i32
    %dma_wait3A_145 = arith.constant 0 : i32
    %dma_wait3A_146 = tpu.memref_slice %arg4[%dma_wait3A_144, %dma_wait3A_145] : memref<500000x128xf32, #tpu.memory_space<hbm>> -> memref<500000x128xf32, #tpu.memory_space<hbm>>
    tpu.wait_indirect_dma semaphore(%arg12 : memref<!tpu.dma_semaphore, #tpu.memory_space<semaphore_mem>>) src(%dma_wait3A_146 : memref<500000x128xf32, #tpu.memory_space<hbm>>) dst(%dma_wait3A_141 : memref<128x128xf32, #tpu.memory_space<vmem>>)
    %dma_wait3A_147 = arith.constant 128 : i32
    %dma_wait3A_148 = arith.constant 0 : i32
    %dma_wait3A_149 = tpu.memref_slice %arg10[%dma_wait3A_147, %dma_wait3A_148] : memref<256x128xf32, #tpu.memory_space<vmem>> -> memref<128x128xf32, #tpu.memory_space<vmem>>
    %dma_wait3A_150 = arith.constant 384 : i32
    %dma_wait3A_151 = tpu.memref_slice %arg8[%dma_wait3A_150] : memref<512xi32, #tpu.memory_space<vmem>> -> memref<128xi32, #tpu.memory_space<vmem>>
    %dma_wait3A_152 = arith.constant 0 : i32
    %dma_wait3A_153 = arith.constant 0 : i32
    %dma_wait3A_154 = tpu.memref_slice %arg4[%dma_wait3A_152, %dma_wait3A_153] : memref<500000x128xf32, #tpu.memory_space<hbm>> -> memref<500000x128xf32, #tpu.memory_space<hbm>>
    tpu.wait_indirect_dma semaphore(%arg12 : memref<!tpu.dma_semaphore, #tpu.memory_space<semaphore_mem>>) src(%dma_wait3A_154 : memref<500000x128xf32, #tpu.memory_space<hbm>>) dst(%dma_wait3A_149 : memref<128x128xf32, #tpu.memory_space<vmem>>)
    %add3A_155 = arith.constant 256 : i32
    %add3A_156 = arith.addi %mul3A_2, %add3A_155 : i32
    %dma_start3A_157 = arith.constant 0 : i32
    %dma_start3A_158 = tpu.memref_slice %arg6[%add3A_156, %dma_start3A_157] : memref<16384x128xf32, #tpu.memory_space<hbm>> -> memref<256x128xf32, #tpu.memory_space<hbm>>
    %dma_start3A_159 = arith.constant 0 : i32
    %dma_start3A_160 = tpu.memref_slice %arg6[%add3A_156, %dma_start3A_159] : memref<16384x128xf32, #tpu.memory_space<hbm>> -> memref<256x128xf32, #tpu.memory_space<hbm>>
    tpu.enqueue_dma source(%arg10 : memref<256x128xf32, #tpu.memory_space<vmem>>) target(%dma_start3A_160 : memref<256x128xf32, #tpu.memory_space<hbm>>) target_semaphore(%arg13 : memref<!tpu.dma_semaphore, #tpu.memory_space<semaphore_mem>>)
    %dma_wait3A_161 = arith.constant 0 : i32
    %dma_wait3A_162 = tpu.memref_slice %arg5[%add3A_134, %dma_wait3A_161] : memref<16384x128xf32, #tpu.memory_space<hbm>> -> memref<256x128xf32, #tpu.memory_space<hbm>>
    %dma_wait3A_163 = arith.constant 0 : i32
    %dma_wait3A_164 = tpu.memref_slice %arg5[%add3A_134, %dma_wait3A_163] : memref<16384x128xf32, #tpu.memory_space<hbm>> -> memref<256x128xf32, #tpu.memory_space<hbm>>
    tpu.wait_dma2 semaphore(%arg13 : memref<!tpu.dma_semaphore, #tpu.memory_space<semaphore_mem>>) src(%arg9 : memref<256x128xf32, #tpu.memory_space<vmem>>) dst(%dma_wait3A_164 : memref<256x128xf32, #tpu.memory_space<hbm>>)
    %dma_wait3A_165 = arith.constant 0 : i32
    %dma_wait3A_166 = tpu.memref_slice %arg6[%add3A_156, %dma_wait3A_165] : memref<16384x128xf32, #tpu.memory_space<hbm>> -> memref<256x128xf32, #tpu.memory_space<hbm>>
    %dma_wait3A_167 = arith.constant 0 : i32
    %dma_wait3A_168 = tpu.memref_slice %arg6[%add3A_156, %dma_wait3A_167] : memref<16384x128xf32, #tpu.memory_space<hbm>> -> memref<256x128xf32, #tpu.memory_space<hbm>>
    tpu.wait_dma2 semaphore(%arg13 : memref<!tpu.dma_semaphore, #tpu.memory_space<semaphore_mem>>) src(%arg10 : memref<256x128xf32, #tpu.memory_space<vmem>>) dst(%dma_wait3A_168 : memref<256x128xf32, #tpu.memory_space<hbm>>)
    return
  }
}

module attributes {stable_mosaic.version = 14 : i64} {
  func.func @_loss_tc(%arg0: i32, %arg1: memref<2048x128xf32, #tpu.memory_space<vmem>>, %arg2: memref<2048x128xf32, #tpu.memory_space<vmem>>, %arg3: memref<2048x1xi32, #tpu.memory_space<vmem>>, %arg4: memref<2048x1xi32, #tpu.memory_space<vmem>>, %arg5: memref<2048x1xi32, #tpu.memory_space<vmem>>, %arg6: memref<2048x1xf32, #tpu.memory_space<vmem>>, %arg7: memref<64x64xf32, #tpu.memory_space<vmem>>, %arg8: memref<1x1xf32, #tpu.memory_space<vmem>>) attributes {dimension_semantics = [#tpu.dimension_semantics<arbitrary>], iteration_bounds = array<i64: 8>, scalar_prefetch = 0 : i64, scratch_operands = 0 : i64, tpu.core_type = #tpu.core_type<tc>, window_params = [{transform_indices = @transform_0, window_bounds = array<i64: 2048, 128>}, {transform_indices = @transform_1, window_bounds = array<i64: 2048, 128>}, {transform_indices = @transform_2, window_bounds = array<i64: 2048, 1>}, {transform_indices = @transform_3, window_bounds = array<i64: 2048, 1>}, {transform_indices = @transform_4, window_bounds = array<i64: 2048, 1>}, {transform_indices = @transform_5, window_bounds = array<i64: 2048, 1>}, {pipeline_mode = #tpu.pipeline_mode<synchronous>, transform_indices = @transform_6, window_bounds = array<i64: 64, 64>}, {pipeline_mode = #tpu.pipeline_mode<synchronous>, transform_indices = @transform_7, window_bounds = array<i64: 1, 1>}]} {
    %get3A = arith.constant 0 : index
    %get3A_0 = arith.constant 0 : index
    %get3A_1 = vector.load %arg3[%get3A, %get3A_0] : memref<2048x1xi32, #tpu.memory_space<vmem>>, vector<2048x1xi32>
    %eq3A = arith.constant 1 : i32
    %eq3A_2 = vector.broadcast %eq3A : i32 to vector<2048x1xi32>
    %eq3A_3 = arith.cmpi eq, %get3A_1, %eq3A_2 : vector<2048x1xi32>
    %get3A_4 = arith.constant 0 : index
    %get3A_5 = arith.constant 0 : index
    %get3A_6 = vector.load %arg4[%get3A_4, %get3A_5] : memref<2048x1xi32, #tpu.memory_space<vmem>>, vector<2048x1xi32>
    %eq3A_7 = arith.constant 1 : i32
    %eq3A_8 = vector.broadcast %eq3A_7 : i32 to vector<2048x1xi32>
    %eq3A_9 = arith.cmpi eq, %get3A_6, %eq3A_8 : vector<2048x1xi32>
    %get3A_10 = arith.constant 0 : index
    %get3A_11 = arith.constant 64 : index
    %get3A_12 = vector.load %arg1[%get3A_10, %get3A_11] : memref<2048x128xf32, #tpu.memory_space<vmem>>, vector<2048x64xf32>
    %get3A_13 = arith.constant 0 : index
    %get3A_14 = arith.constant 0 : index
    %get3A_15 = vector.load %arg1[%get3A_13, %get3A_14] : memref<2048x128xf32, #tpu.memory_space<vmem>>, vector<2048x64xf32>
    %broadcast_in_dim3A = vector.shape_cast %eq3A_3 : vector<2048x1xi1> to vector<2048x1xi1>
    %broadcast_in_dim3A_16 = vector.broadcast %broadcast_in_dim3A : vector<2048x1xi1> to vector<2048x64xi1>
    %select_n3A = arith.select %broadcast_in_dim3A_16, %get3A_12, %get3A_15 : vector<2048x64xi1>, vector<2048x64xf32>
    %get3A_17 = arith.constant 0 : index
    %get3A_18 = arith.constant 64 : index
    %get3A_19 = vector.load %arg2[%get3A_17, %get3A_18] : memref<2048x128xf32, #tpu.memory_space<vmem>>, vector<2048x64xf32>
    %get3A_20 = arith.constant 0 : index
    %get3A_21 = arith.constant 0 : index
    %get3A_22 = vector.load %arg2[%get3A_20, %get3A_21] : memref<2048x128xf32, #tpu.memory_space<vmem>>, vector<2048x64xf32>
    %broadcast_in_dim3A_23 = vector.shape_cast %eq3A_9 : vector<2048x1xi1> to vector<2048x1xi1>
    %broadcast_in_dim3A_24 = vector.broadcast %broadcast_in_dim3A_23 : vector<2048x1xi1> to vector<2048x64xi1>
    %select_n3A_25 = arith.select %broadcast_in_dim3A_24, %get3A_19, %get3A_22 : vector<2048x64xi1>, vector<2048x64xf32>
    %get3A_26 = arith.constant 0 : index
    %get3A_27 = arith.constant 0 : index
    %get3A_28 = vector.load %arg7[%get3A_26, %get3A_27] : memref<64x64xf32, #tpu.memory_space<vmem>>, vector<64x64xf32>
    %logistic3A = arith.negf %get3A_28 : vector<64x64xf32>
    %logistic3A_29 = math.exp %logistic3A : vector<64x64xf32>
    %logistic3A_30 = arith.constant 1.000000e+00 : f32
    %logistic3A_31 = vector.broadcast %logistic3A_30 : f32 to vector<64x64xf32>
    %logistic3A_32 = arith.addf %logistic3A_31, %logistic3A_29 : vector<64x64xf32>
    %logistic3A_33 = arith.divf %logistic3A_31, %logistic3A_32 : vector<64x64xf32>
    %mul3A = arith.mulf %select_n3A, %select_n3A_25 : vector<2048x64xf32>
    %dot_general3A = arith.constant dense<0.000000e+00> : vector<2048x64xf32>
    %dot_general3A_34 = tpu.matmul %mul3A, %logistic3A_33, %dot_general3A {dimension_numbers = #tpu.dot_dimension_numbers<[1], [1], [0], [0], [0, 0, 1, 0], [], []>, transpose_lhs_hint = false} : vector<2048x64xf32>, vector<64x64xf32>, vector<2048x64xf32> -> vector<2048x64xf32>
    %iota3A = tpu.iota {dimensions = array<i32: 1>} : vector<2048x64xi32>
    %get3A_35 = arith.constant 0 : index
    %get3A_36 = arith.constant 0 : index
    %get3A_37 = vector.load %arg5[%get3A_35, %get3A_36] : memref<2048x1xi32, #tpu.memory_space<vmem>>, vector<2048x1xi32>
    %eq3A_38 = vector.broadcast %get3A_37 : vector<2048x1xi32> to vector<2048x64xi32>
    %eq3A_39 = arith.cmpi eq, %iota3A, %eq3A_38 : vector<2048x64xi32>
    %jit3A = arith.constant 0.000000e+00 : f32
    %broadcast_in_dim3A_40 = vector.broadcast %jit3A : f32 to vector<2048x64xf32>
    %select_n3A_41 = arith.select %eq3A_39, %dot_general3A_34, %broadcast_in_dim3A_40 : vector<2048x64xi1>, vector<2048x64xf32>
    %reduce_sum3A = arith.constant dense<0.000000e+00> : vector<2048xf32>
    %reduce_sum3A_42 = vector.multi_reduction <add>, %select_n3A_41, %reduce_sum3A [1] : vector<2048x64xf32> to vector<2048xf32>
    %broadcast_in_dim3A_43 = vector.shape_cast %reduce_sum3A_42 : vector<2048xf32> to vector<2048x1xf32>
    %logistic3A_44 = arith.negf %broadcast_in_dim3A_43 : vector<2048x1xf32>
    %logistic3A_45 = math.exp %logistic3A_44 : vector<2048x1xf32>
    %logistic3A_46 = arith.constant 1.000000e+00 : f32
    %logistic3A_47 = vector.broadcast %logistic3A_46 : f32 to vector<2048x1xf32>
    %logistic3A_48 = arith.addf %logistic3A_47, %logistic3A_45 : vector<2048x1xf32>
    %logistic3A_49 = arith.divf %logistic3A_47, %logistic3A_48 : vector<2048x1xf32>
    %get3A_50 = arith.constant 0 : index
    %get3A_51 = arith.constant 0 : index
    %get3A_52 = vector.load %arg6[%get3A_50, %get3A_51] : memref<2048x1xf32, #tpu.memory_space<vmem>>, vector<2048x1xf32>
    %add3A = arith.constant 1.000000e-10 : f32
    %add3A_53 = vector.broadcast %add3A : f32 to vector<2048x1xf32>
    %add3A_54 = arith.addf %logistic3A_49, %add3A_53 : vector<2048x1xf32>
    %log3A = math.log %add3A_54 : vector<2048x1xf32>
    %mul3A_55 = arith.mulf %get3A_52, %log3A : vector<2048x1xf32>
    %sub3A = arith.constant 1.000000e+00 : f32
    %sub3A_56 = vector.broadcast %sub3A : f32 to vector<2048x1xf32>
    %sub3A_57 = arith.subf %sub3A_56, %get3A_52 : vector<2048x1xf32>
    %sub3A_58 = arith.constant 1.000000e+00 : f32
    %sub3A_59 = vector.broadcast %sub3A_58 : f32 to vector<2048x1xf32>
    %sub3A_60 = arith.subf %sub3A_59, %logistic3A_49 : vector<2048x1xf32>
    %add3A_61 = arith.constant 1.000000e-10 : f32
    %add3A_62 = vector.broadcast %add3A_61 : f32 to vector<2048x1xf32>
    %add3A_63 = arith.addf %sub3A_60, %add3A_62 : vector<2048x1xf32>
    %log3A_64 = math.log %add3A_63 : vector<2048x1xf32>
    %mul3A_65 = arith.mulf %sub3A_57, %log3A_64 : vector<2048x1xf32>
    %add3A_66 = arith.addf %mul3A_55, %mul3A_65 : vector<2048x1xf32>
    %neg3A = arith.constant 0.000000e+00 : f32
    %neg3A_67 = vector.broadcast %neg3A : f32 to vector<2048x1xf32>
    %neg3A_68 = arith.subf %neg3A_67, %add3A_66 : vector<2048x1xf32>
    %reduce_sum3A_69 = vector.shape_cast %neg3A_68 : vector<2048x1xf32> to vector<1x2048x1xf32>
    %reduce_sum3A_70 = arith.constant dense<0.000000e+00> : vector<1xf32>
    %reduce_sum3A_71 = vector.multi_reduction <add>, %reduce_sum3A_69, %reduce_sum3A_70 [1, 2] : vector<1x2048x1xf32> to vector<1xf32>
    %reduce_sum3A_72 = vector.shape_cast %reduce_sum3A_71 : vector<1xf32> to vector<1x1x1xf32>
    %reduce_sum3A_73 = vector.extract %reduce_sum3A_72[0, 0, 0] : f32 from vector<1x1x1xf32>
    %broadcast_in_dim3A_74 = vector.broadcast %reduce_sum3A_73 : f32 to vector<1x1xf32>
    %eq3A_75 = arith.constant 0 : i32
    %eq3A_76 = arith.cmpi eq, %arg0, %eq3A_75 : i32
    %convert_element_type3A = arith.extui %eq3A_76 : i1 to i32
    %cond3A = arith.constant 0 : i32
    %cond3A_77 = arith.cmpi ne, %convert_element_type3A, %cond3A : i32
    scf.if %cond3A_77 {
      %swap3A = arith.constant 0 : index
      %swap3A_82 = arith.constant 0 : index
      %swap3A_83 = vector.load %arg8[%swap3A, %swap3A_82] : memref<1x1xf32, #tpu.memory_space<vmem>>, vector<1x1xf32>
      tpu.vector_store %arg8[%swap3A, %swap3A_82], %broadcast_in_dim3A_74 {strides = array<i32>} : memref<1x1xf32, #tpu.memory_space<vmem>>, vector<1x1xf32>,
    } else {
    }
    %ne3A = arith.constant 0 : i32
    %ne3A_78 = arith.cmpi ne, %arg0, %ne3A : i32
    %convert_element_type3A_79 = arith.extui %ne3A_78 : i1 to i32
    %cond3A_80 = arith.constant 0 : i32
    %cond3A_81 = arith.cmpi ne, %convert_element_type3A_79, %cond3A_80 : i32
    scf.if %cond3A_81 {
      %get3A_82 = arith.constant 0 : index
      %get3A_83 = arith.constant 0 : index
      %get3A_84 = vector.load %arg8[%get3A_82, %get3A_83] : memref<1x1xf32, #tpu.memory_space<vmem>>, vector<1x1xf32>
      %add3A_85 = arith.addf %get3A_84, %broadcast_in_dim3A_74 : vector<1x1xf32>
      %swap3A = arith.constant 0 : index
      %swap3A_86 = arith.constant 0 : index
      %swap3A_87 = vector.load %arg8[%swap3A, %swap3A_86] : memref<1x1xf32, #tpu.memory_space<vmem>>, vector<1x1xf32>
      tpu.vector_store %arg8[%swap3A, %swap3A_86], %add3A_85 {strides = array<i32>} : memref<1x1xf32, #tpu.memory_space<vmem>>, vector<1x1xf32>,
    } else {
    }
    return
  }
  func.func @transform_0(%arg0: i32) -> (i32, i32) {
    %c0_i32 = arith.constant 0 : i32
    %c0_i32_0 = arith.constant 0 : i32
    return %arg0, %c0_i32 : i32, i32
  }
  func.func @transform_1(%arg0: i32) -> (i32, i32) {
    %c0_i32 = arith.constant 0 : i32
    %c0_i32_0 = arith.constant 0 : i32
    return %arg0, %c0_i32 : i32, i32
  }
  func.func @transform_2(%arg0: i32) -> (i32, i32) {
    %c0_i32 = arith.constant 0 : i32
    %c0_i32_0 = arith.constant 0 : i32
    return %arg0, %c0_i32 : i32, i32
  }
  func.func @transform_3(%arg0: i32) -> (i32, i32) {
    %c0_i32 = arith.constant 0 : i32
    %c0_i32_0 = arith.constant 0 : i32
    return %arg0, %c0_i32 : i32, i32
  }
  func.func @transform_4(%arg0: i32) -> (i32, i32) {
    %c0_i32 = arith.constant 0 : i32
    %c0_i32_0 = arith.constant 0 : i32
    return %arg0, %c0_i32 : i32, i32
  }
  func.func @transform_5(%arg0: i32) -> (i32, i32) {
    %c0_i32 = arith.constant 0 : i32
    %c0_i32_0 = arith.constant 0 : i32
    return %arg0, %c0_i32 : i32, i32
  }
  func.func @transform_6(%arg0: i32) -> (i32, i32) {
    %c0_i32 = arith.constant 0 : i32
    %c0_i32_0 = arith.constant 0 : i32
    %c0_i32_1 = arith.constant 0 : i32
    return %c0_i32, %c0_i32_0 : i32, i32
  }
  func.func @transform_7(%arg0: i32) -> (i32, i32) {
    %c0_i32 = arith.constant 0 : i32
    %c0_i32_0 = arith.constant 0 : i32
    %c0_i32_1 = arith.constant 0 : i32
    return %c0_i32, %c0_i32_0 : i32, i32
  }
}

</mosaic_0001>

<sc_bundles>
// kernel: kernel.4.cloned.1.call-start
scs
__scs_entry_jumppad:
0x0: {  	(pc) =	sbr.rel $0x88, $3  }
0x1: {  	(tag) =	ssettag $0x0;
	lr =	simm.s32 $0x1  }
0x2: {  	[smem:$0x3F9B] =	sst lr;
	_ =	strace $0xD0000000  }
0x3: {  	_ = 	snop  }
0x4: {  	_ = 	snop  }
0x5: {  	_ = 	snop  }
0x6: {  	_ = 	snop  }
0x7: {  	_ = 	snop  }
__scs_overlays_trampoline_lowered:
0x8: {  	[smem:$0x3FAA] =	sst s0  }
0x9: {  	[smem:$0x3FAB] =	sst s1  }
0xa: {  	[smem:$0x3FAC] =	sst s2  }
0xb: {  	[smem:$0x3FAD] =	sst s3  }
0xc: {  	[smem:$0x3FAE] =	sst s4  }
0xd: {  	[smem:$0x3FAF] =	sst s5  }
0xe: {  	[smem:$0x3FB0] =	sst s6  }
0xf: {  	[smem:$0x3FB1] =	sst s7  }
0x10: {  	[smem:$0x3FB2] =	sst s8  }
0x11: {  	[smem:$0x3FB3] =	sst s9;
	s0 =	simm.s32 @!p0 $0x0  }
0x12: {  	s1 =	sld [smem:$0x3F99];
	s0 =	simm.s32 @p0 $0x1  }
0x13: {  	[smem:$0x3FB4] =	sst s0;
	s0 =	simm.s32 @!p1 $0x0  }
0x14: {  	s2 =	sld [smem:$0x3F98];
	s0 =	simm.s32 @p1 $0x1  }
0x15: {  	[smem:$0x3FB5] =	sst s0;
	s0 =	simm.s32 @!p2 $0x0  }
0x16: {  	s3 =	sld [smem:$0x3FDB];
	s0 =	simm.s32 @p2 $0x1  }
0x17: {  	s4 =	simm.s32 $0x1BF5;
	[smem:$0x3FB7] =	sst s0  }
0x18: {  	s0 =	sld [smem:$0x3F9A];
	_ =	swait.ge [sflag:s4], $0x0  }
0x19: {  	s7 =	sld [smem:$0x3F9B]  }
0x1a: {  	s8 =	sadd.s32 $0xFFFFE003, lr  }
0x1b: {  	s9 =	sadd.s32 $0xFFFFFEF7, lr;
	s5 =	simm.s32 $0xFFFFFFFF;
	p2 =	slt.u32 s8, $0xFFFFF086  }
0x1c: {  	p1 =	slt.u32 s9, $0xF7A;
	s5 =	simm.s32 @!p2 $0x0  }
0x1d: {  	s5 =	simm.s32 @p1 $0x1;
	p0 =	seq.s32 s7, s2  }
0x1e: {  	s7 =	smul.u32 @!p0 $0xF7A, s2;
	p2 =	seq.s32 @!p0 s5, $0x0  }
0x1f: {  	s9 =	smul.u32 $0xF7A, s1;
	s8 =	simm.s32 @!p0 $0x1BF5;
	p2 =	por !p2, p0  }
0x20: {  	[sflag:s8] =	ssyncset.s32 @!p0 $0xFFFFF086;
	s6 =	sadd.s32 @!p0 s3, s7;
	s7 =	simm.s32 @!p0 $0x108  }
0x21: {  	s3 =	sadd.s32 s3, s9;
	s6 =	sadd.s32 @!p0 $0x88, s6;
	s7 =	simm.s32 @p2 $0x1082  }
0x22: {  	[simem:s7], [sflag:s8] =	dma.local @!p0 [hbm:s6], $0xF7A  }
0x23: {  	s9 =	sor.u32 $0xD0000000, s2;
	s6 =	simm.s32 $0x108;
	_ =	swait.ge @!p0 [sflag:s8], $0x0  }
0x24: {  	s3 =	sadd.s32 $0x88, s3;
	s6 =	simm.s32 @!p1 $0x1082;
	[sflag:s4] =	ssyncset.s32 $0xFFFFF086  }
0x25: {  	[simem:s6], [sflag:s4] =	dma.local [hbm:s3], $0xF7A  }
0x26: {  	[smem:$0x3F9B] =	sst s1;
	(tag) =	ssettag s2;
	_ =	strace s9  }
0x27: {  	s1 =	sld [smem:$0x3FAB]  }
0x28: {  	s2 =	sld [smem:$0x3FAC]  }
0x29: {  	s4 =	sld [smem:$0x3FAE]  }
0x2a: {  	p0 =	seq.s32 s5, $0x0;
	s5 =	sld [smem:$0x3FAF]  }
0x2b: {  	s6 =	sld [smem:$0x3FB0]  }
0x2c: {  	s7 =	sld [smem:$0x3FB1]  }
0x2d: {  	s3 =	simm.s32 $0x108;
	s8 =	sld [smem:$0x3FB2]  }
0x2e: {  	s3 =	simm.s32 @!p0 $0x1082;
	s9 =	sld [smem:$0x3FB3]  }
0x2f: {  	lr =	sadd.s32 s0, s3;
	s0 =	sld [smem:$0x3FAA]  }
0x30: {  	s3 =	sld [smem:$0x3FAD]  }
0x31: {  	[smem:$0x3FB6] =	sst s10  }
0x32: {  	s10 =	sld [smem:$0x3FB4];
	_ =	sdelay $0x3  }
0x33: {  	p0 =	seq.s32 s10, $0x1;
	s10 =	sld [smem:$0x3FB6];
	_ =	sdelay $0x3  }
0x34: {  	[smem:$0x3FB6] =	sst s10  }
0x35: {  	s10 =	sld [smem:$0x3FB5];
	_ =	sdelay $0x3  }
0x36: {  	p1 =	seq.s32 s10, $0x1;
	s10 =	sld [smem:$0x3FB6];
	_ =	sdelay $0x3  }
0x37: {  	[smem:$0x3FB6] =	sst s10  }
0x38: {  	s10 =	sld [smem:$0x3FB7]  }
0x39: {  	_ = 	snop;
	(pc) =	sbr.ind lr, $3  }
0x3a: {  	_ = 	snop  }
0x3b: {  	_ = 	snop  }
0x3c: {  	p2 =	seq.s32 s10, $0x1;
	s10 =	sld [smem:$0x3FB6]  }
0x3d: {  	_ =	shalt  }
0x3e: {  	_ =	shalt  }
0x3f: {  	_ =	shalt  }
0x40: {  	_ =	shalt  }
0x41: {  	_ =	shalt  }
0x42: {  	_ =	shalt  }
0x43: {  	_ =	shalt  }
0x44: {  	_ =	shalt  }
0x45: {  	_ =	shalt  }
0x46: {  	_ =	shalt  }
0x47: {  	_ =	shalt  }
0x48: {  	_ =	shalt  }
0x49: {  	_ =	shalt  }
0x4a: {  	_ =	shalt  }
0x4b: {  	_ =	shalt  }
0x4c: {  	_ =	shalt  }
0x4d: {  	_ =	shalt  }
0x4e: {  	_ =	shalt  }
0x4f: {  	_ =	shalt  }
0x50: {  	_ =	shalt  }
0x51: {  	_ =	shalt  }
0x52: {  	_ =	shalt  }
0x53: {  	_ =	shalt  }
0x54: {  	_ =	shalt  }
0x55: {  	_ =	shalt  }
0x56: {  	_ =	shalt  }
0x57: {  	_ =	shalt  }
0x58: {  	_ =	shalt  }
0x59: {  	_ =	shalt  }
0x5a: {  	_ =	shalt  }
0x5b: {  	_ =	shalt  }
0x5c: {  	_ =	shalt  }
0x5d: {  	_ =	shalt  }
0x5e: {  	_ =	shalt  }
0x5f: {  	_ =	shalt  }
0x60: {  	_ =	shalt  }
0x61: {  	_ =	shalt  }
0x62: {  	_ =	shalt  }
0x63: {  	_ =	shalt  }
0x64: {  	_ =	shalt  }
0x65: {  	_ =	shalt  }
0x66: {  	_ =	shalt  }
0x67: {  	_ =	shalt  }
0x68: {  	_ =	shalt  }
0x69: {  	_ =	shalt  }
0x6a: {  	_ =	shalt  }
0x6b: {  	_ =	shalt  }
0x6c: {  	_ =	shalt  }
0x6d: {  	_ =	shalt  }
0x6e: {  	_ =	shalt  }
0x6f: {  	_ =	shalt  }
0x70: {  	_ =	shalt  }
0x71: {  	_ =	shalt  }
0x72: {  	_ =	shalt  }
0x73: {  	_ =	shalt  }
0x74: {  	_ =	shalt  }
0x75: {  	_ =	shalt  }
0x76: {  	_ =	shalt  }
0x77: {  	_ =	shalt  }
0x78: {  	_ =	shalt  }
0x79: {  	_ =	shalt  }
0x7a: {  	_ =	shalt  }
0x7b: {  	_ =	shalt  }
0x7c: {  	_ =	shalt  }
0x7d: {  	_ =	shalt  }
0x7e: {  	_ =	shalt  }
0x7f: {  	_ =	shalt  }
0x80: {  	_ =	shalt  }
0x81: {  	_ =	shalt  }
0x82: {  	_ =	shalt  }
0x83: {  	_ =	shalt  }
0x84: {  	_ =	shalt  }
0x85: {  	_ =	shalt  }
0x86: {  	_ =	shalt  }
0x87: {  	_ =	shalt  }
.Lfunc_end0:
.L_simem_size_0:
called_computation_lowered:
.L_overlay_start_0:
0x88: {  	s2 =	sld [smem:$0x3FD9]  }
0x89: {  	s3 =	sld [smem:$0x3FFE];
	_ =	sdelay $0x1  }
0x8a: {  	s1 =	srdreg.scid  }
0x8b: {  	s0 =	sand.u32 $0x1, s1  }
0x8c: {  	s16 =	sshll.u32 s0, $0xA;
	s2 =	sadd.s32 s3, s2  }
0x8d: {  	s2 =	sadd.s32 s2, s16  }
0x8e: {  	[smem:$0x3FC2] =	sst s2  }
0x8f: {  	_ = 	snop  }
0x90: {  	(tm) =	ssettm $0x1  }
0x91: {  	s17 =	sld [smem:$0x3FFB];
	_ =	sdelay $0x3  }
0x92: {  	_ =	strace s17  }
0x93: {  	s2 =	sld [smem:$0x3FFC];
	_ =	sdelay $0x3  }
0x94: {  	_ =	strace s2  }
0x95: {  	s2 =	sld [smem:$0x3FFD];
	_ =	sdelay $0x3  }
0x96: {  	_ =	strace s2  }
0x97: {  	_ =	strace $0x8FFFFFFF  }
0x98: {  	s18 =	sld [smem:$0x3FDB];
	_ =	sdelay $0x1  }
0x99: {  	s19 =	simm.s32 $_scs_section_size  }
0x9a: {  	s4 =	simm.s32 $_size__tile_overlayer_lowered;
	s5 =	simm.s32 $_tile_overlayer_lowered  }
0x9b: {  	s22 =	simm.s32 $0x1BFF;
	s21 =	sshll.u32 s5, $0x1;
	s2 =	sadd.s32 s19, s18  }
0x9c: {  	s6 =	simm.s32 $0x0;
	s20 =	sshll.u32 s4, $0x1;
	s4 =	sadd.s32 s21, s2  }
0x9d: {  	[timem:s6], [sflag:s22] =	dma.local [hbm:s4], s20  }
0x9e: {  	_ =	swait.ge [sflag:s22], s20  }
0x9f: {  	s3 =	ssub.s32 $0x0, s20;
	[sflag:s22] =	ssyncset.done $0x0  }
0xa0: {  	[sflag:s22] =	ssyncadd.s32 s3;
	_ =	sdelay $0x1  }
0xa1: {  	s23 =	simm.s32 $0x1B8B  }
0xa2: {  	_ =	swait.ge [sflag:s23], $0x1  }
0xa3: {  	[sflag:s23] =	ssyncset.done $0x0  }
0xa4: {  	s25 =	simm.s32 $0x1B8E;
	s24 =	sld [smem:$0x3FFE];
	[sflag:s23] =	ssyncadd.s32 $0xFFFFFFFF  }
0xa5: {  	s26 =	simm.s32 $execute0_lowered;
	[smem:$0x3FD2] =	sst s25  }
0xa6: {  	s4 =	sshll.u32 s26, $0x1;
	_ =	strace $0x80000046;
	[dreg:$0x1] =	wrdreg $0xFFFFFFFF  }
0xa7: {  	s28 =	simm.s32 $_size_execute0_lowered;
	s2 =	sadd.s32 s2, s4;
	[dreg:$0x0] =	wrdreg $0x0  }
0xa8: {  	s4 =	sshll.u32 s28, $0x1;
	[dreg:$0x2] =	wrdreg s2  }
0xa9: {  	[dreg:$0x3] =	wrdreg s4  }
0xaa: {  	[dreg:$0x4] =	wrdreg $0xC0  }
0xab: {  	_ =	task [dreg:s6], $0x5FFFF  }
0xac: {  	[dreg:$0x1] =	wrdreg $0xFFFFFFFF  }
0xad: {  	[dreg:$0x0] =	wrdreg $0x60  }
0xae: {  	[dreg:$0x2] =	wrdreg s24  }
0xaf: {  	[dreg:$0x3] =	wrdreg $0x9  }
0xb0: {  	_ =	task.clear_ibuf [dreg:s6], $0x4FFFF;
	_ =	strace $0x90000046  }
0xb1: {  	s29 =	simm.s32 $0x9;
	_ =	strace $0x80000048  }
0xb2: {  	_ =	swait.ge [sflag:s29], $0x1  }
0xb3: {  	[sflag:s29] =	ssyncadd.s32 $0xFFFFFFFF  }
0xb4: {  	_ =	strace $0x90000048  }
0xb5: {  	_ =	sfence  }
0xb6: {  	s30 =	sld [smem:$0x0];
	_ =	sdelay $0x2  }
0xb7: {  	s31 =	sshll.u32 s1, $0xD;
	s1 =	sshrl.u32 s1, $0x2  }
0xb8: {  	s3 =	sand.u32 $0x4000, s31;
	s1 =	sadd.s32 s1, s30  }
0xb9: {  	s0 =	sor.u32 s3, s0;
	s1 =	sshll.u32 s1, $0x11  }
0xba: {  	s0 =	sor.u32 s1, s0  }
0xbb: {  	s0 =	sadd.s32 $0x8F2B, s0  }
0xbc: {  	[sflag:s0] =	ssyncadd.remote.s32 $0x1  }
0xbd: {  	_ =	sfence.sel $0xFFFF  }
0xbe: {  	[dreg:$0x0] =	wrdreg $0xFFFFFFFF;
	(pc) =	sbr.abs _section_cstart, $3  }
0xbf: {  	[dreg:$0x1] =	wrdreg $0xFFFFFFFF  }
0xc0: {  	_ =	task.clear_ibuf [dreg:s6], $0x2FFFF;
	_ =	strace $0x9FFFFFFF  }
0xc1: {  	(tm) =	ssettm $0x7FFFFFFF  }
tec
execute0_lowered:
.L_overlay_start_1:
0x0: {  	(tag) =	ssettag $0x1  }
0x1: {  	s1 =	srdreg.scid  }
0x2: {  	s0 =	stileid.u32;
	s25 =	sand.u32 $0x1, s1  }
0x3: {  	s30 =	sshll.u32 s0, $0xA;
	s2 =	sshll.u32 s25, $0x9  }
0x4: {  	s15 =	sor.u32 s2, s30  }
0x5: {  	s17 =	rddreg [dreg:$0x0];
	s2 =	simm.s32 $0x0;
	s3 =	sshrl.u32 s15, $0x3  }
0x6: {  	s4 =	simm.s32 $0x4;
	[smem:$0x7FF] =	sst s2;
	s5 =	sadd.s32 s3, s17  }
0x7: {  	s1 =	rddreg [dreg:$0x1];
	_ =	strace $0x80000047;
	s3 =	sadd.s32 $0x3400, s5  }
0x8: {  	[tilespmem:s2], [sflag:$0x4] =	stream.linear.gather [hbm4b:s3+s2], $0x200, $0x38;
	[tilespmem:$0x10400] =	vst v63  }
0x9: {  	_ =	swait.ge [sflag:s4], $0x200  }
0xa: {  	[sflag:s4] =	ssyncset.done $0x0  }
0xb: {  	s6 =	simm.s32 $0x200;
	s5 =	sadd.s32 $0x2C00, s5;
	[sflag:s4] =	ssyncadd.s32 $0xFFFFFE00  }
0xc: {  	[tilespmem:s6], [sflag:$0x4] =	stream.linear.gather [hbm4b:s5+s2], $0x200, $0x38;
	[tilespmem:$0x10400] =	vst v63  }
0xd: {  	_ =	swait.ge [sflag:s4], $0x200  }
0xe: {  	s8 =	simm.s32 $0x80;
	[sflag:s4] =	ssyncset.done $0x0  }
0xf: {  	s9 =	simm.s32 $0x400;
	s7 =	sadd.s32 $0xF44000, s17;
	[sflag:s4] =	ssyncadd.s32 $0xFFFFFE00  }
0x10: {  	[tilespmem:s9], [sflag:$0x1] =	stream.indirect.gather [hbm4b:s7+s8], $0x80, s2, s8, $0xb8;
	[tilespmem:$0x10400] =	vst v63  }
0x11: {  	s10 =	simm.s32 $0x4400  }
0x12: {  	[tilespmem:s10], [sflag:$0x1] =	stream.indirect.gather [hbm4b:s7+s8], $0x80, s8, s8, $0xb8;
	[tilespmem:$0x10400] =	vst v63  }
0x13: {  	s11 =	simm.s32 $0x8400  }
0x14: {  	[tilespmem:s11], [sflag:$0x2] =	stream.indirect.gather [hbm4b:s7+s8], $0x80, s6, s8, $0xb8;
	[tilespmem:$0x10400] =	vst v63  }
0x15: {  	s12 =	simm.s32 $0x280;
	s13 =	simm.s32 $0xC400;
	s14 =	simm.s32 $0x1  }
0x16: {  	[tilespmem:s13], [sflag:$0x2] =	stream.indirect.gather [hbm4b:s7+s8], $0x80, s12, s8, $0xb8;
	[tilespmem:$0x10400] =	vst v63  }
0x17: {  	_ =	swait.ge [sflag:s14], $0x4000  }
0x18: {  	[sflag:s14] =	ssyncset.done $0x0  }
0x19: {  	[sflag:s14] =	ssyncadd.s32 $0xFFFFC000  }
0x1a: {  	_ =	swait.ge [sflag:s14], $0x4000  }
0x1b: {  	s23 =	sadd.s32 $0x3C00, s17;
	s24 =	sshll.u32 s15, $0x4;
	[sflag:s14] =	ssyncset.done $0x0  }
0x1c: {  	s16 =	simm.s32 $0x2;
	s15 =	sadd.s32 s23, s24;
	[sflag:s14] =	ssyncadd.s32 $0xFFFFC000  }
0x1d: {  	[hbm4b:s15+s2] =	stream.linear.scatter [tilespmem:s9], [sflag:$0x3], $0x8000, $0x38;
	[tilespmem:$0x10400] =	vst v63  }
0x1e: {  	_ =	swait.ge [sflag:s16], $0x4000  }
0x1f: {  	[sflag:s16] =	ssyncset.done $0x0  }
0x20: {  	[sflag:s16] =	ssyncadd.s32 $0xFFFFC000  }
0x21: {  	_ =	swait.ge [sflag:s16], $0x4000  }
0x22: {  	s26 =	sadd.s32 $0x43C00, s17;
	[sflag:s16] =	ssyncset.done $0x0  }
0x23: {  	s18 =	sadd.s32 s26, s24;
	s17 =	simm.s32 $0x3;
	[sflag:s16] =	ssyncadd.s32 $0xFFFFC000  }
0x24: {  	[hbm4b:s18+s2] =	stream.linear.scatter [tilespmem:s11], [sflag:$0x3], $0x8000, $0x38;
	[tilespmem:$0x10400] =	vst v63  }
0x25: {  	_ =	swait.ge [sflag:s17], $0x8000  }
0x26: {  	[sflag:s17] =	ssyncset.done $0x0  }
0x27: {  	[sflag:s17] =	ssyncadd.s32 $0xFFFF8000  }
0x28: {  	_ =	swait.ge [sflag:s17], $0x8000  }
0x29: {  	[sflag:s17] =	ssyncset.done $0x0  }
0x2a: {  	s19 =	simm.s32 $0x100;
	[sflag:s17] =	ssyncadd.s32 $0xFFFF8000  }
0x2b: {  	[tilespmem:s9], [sflag:$0x1] =	stream.indirect.gather [hbm4b:s7+s8], $0x80, s19, s8, $0xb8;
	[tilespmem:$0x10400] =	vst v63  }
0x2c: {  	s20 =	simm.s32 $0x180  }
0x2d: {  	[tilespmem:s10], [sflag:$0x1] =	stream.indirect.gather [hbm4b:s7+s8], $0x80, s20, s8, $0xb8;
	[tilespmem:$0x10400] =	vst v63  }
0x2e: {  	s21 =	simm.s32 $0x300  }
0x2f: {  	[tilespmem:s11], [sflag:$0x2] =	stream.indirect.gather [hbm4b:s7+s8], $0x80, s21, s8, $0xb8;
	[tilespmem:$0x10400] =	vst v63  }
0x30: {  	s22 =	simm.s32 $0x380  }
0x31: {  	[tilespmem:s13], [sflag:$0x2] =	stream.indirect.gather [hbm4b:s7+s8], $0x80, s22, s8, $0xb8;
	[tilespmem:$0x10400] =	vst v63  }
0x32: {  	_ =	swait.ge [sflag:s14], $0x4000  }
0x33: {  	[sflag:s14] =	ssyncset.done $0x0  }
0x34: {  	[sflag:s14] =	ssyncadd.s32 $0xFFFFC000  }
0x35: {  	_ =	swait.ge [sflag:s14], $0x4000  }
0x36: {  	s24 =	sor.u32 $0x1000, s24;
	[sflag:s14] =	ssyncset.done $0x0  }
0x37: {  	s23 =	sadd.s32 s23, s24;
	[sflag:s14] =	ssyncadd.s32 $0xFFFFC000  }
0x38: {  	[hbm4b:s23+s2] =	stream.linear.scatter [tilespmem:s9], [sflag:$0x3], $0x8000, $0x38;
	[tilespmem:$0x10400] =	vst v63  }
0x39: {  	_ =	swait.ge [sflag:s16], $0x4000  }
0x3a: {  	s25 =	ssub.s32 $0x2, s25;
	[sflag:s16] =	ssyncset.done $0x0  }
0x3b: {  	s31 =	sshrl.u32 s25, $0x1;
	[sflag:s16] =	ssyncadd.s32 $0xFFFFC000  }
0x3c: {  	s25 =	ssub.s32 s25, s31;
	_ =	swait.ge [sflag:s16], $0x4000  }
0x3d: {  	s25 =	smax.u32 s25, $0x1;
	[sflag:s16] =	ssyncset.done $0x0  }
0x3e: {  	s24 =	sadd.s32 s26, s24;
	p0 =	sne.s32 s25, $0x1;
	[sflag:s16] =	ssyncadd.s32 $0xFFFFC000  }
0x3f: {  	[hbm4b:s24+s2] =	stream.linear.scatter [tilespmem:s11], [sflag:$0x3], $0x8000, $0x38;
	[tilespmem:$0x10400] =	vst v63  }
.Ltmp0:
0x40: {  	_ =	swait.ge [sflag:s17], $0x8000;
	(pc) =	sbr.rel @!p0 .LBB2_2-.Ltmp0, $4  }
0x41: {  	[sflag:s17] =	ssyncset.done $0x0  }
0x42: {  	[sflag:s17] =	ssyncadd.s32 $0xFFFF8000  }
0x43: {  	_ =	swait.ge [sflag:s17], $0x8000  }
0x44: {  	s25 =	sadd.s32 $0xFFFFFFFF, s25;
	[sflag:s17] =	ssyncset.done $0x0  }
.LBB2_1:
0x45: {  	p0 =	sne.s32 s25, $0x1;
	s25 =	sadd.s32 $0xFFFFFFFF, s25;
	[sflag:s17] =	ssyncadd.s32 $0xFFFF8000  }
0x46: {  	[tilespmem:s2], [sflag:$0x4] =	stream.linear.gather [hbm4b:s3+s2], $0x200, $0x38;
	[tilespmem:$0x10400] =	vst v63  }
0x47: {  	_ =	swait.ge [sflag:s4], $0x200  }
0x48: {  	[sflag:s4] =	ssyncset.done $0x0  }
0x49: {  	[sflag:s4] =	ssyncadd.s32 $0xFFFFFE00  }
0x4a: {  	[tilespmem:s6], [sflag:$0x4] =	stream.linear.gather [hbm4b:s5+s2], $0x200, $0x38;
	[tilespmem:$0x10400] =	vst v63  }
0x4b: {  	_ =	swait.ge [sflag:s4], $0x200  }
0x4c: {  	[sflag:s4] =	ssyncset.done $0x0  }
0x4d: {  	[sflag:s4] =	ssyncadd.s32 $0xFFFFFE00  }
0x4e: {  	[tilespmem:s9], [sflag:$0x1] =	stream.indirect.gather [hbm4b:s7+s8], $0x80, s2, s8, $0xb8;
	[tilespmem:$0x10400] =	vst v63  }
0x4f: {  	_ = 	snop  }
0x50: {  	[tilespmem:s10], [sflag:$0x1] =	stream.indirect.gather [hbm4b:s7+s8], $0x80, s8, s8, $0xb8;
	[tilespmem:$0x10400] =	vst v63  }
0x51: {  	_ = 	snop  }
0x52: {  	[tilespmem:s11], [sflag:$0x2] =	stream.indirect.gather [hbm4b:s7+s8], $0x80, s6, s8, $0xb8;
	[tilespmem:$0x10400] =	vst v63  }
0x53: {  	_ = 	snop  }
0x54: {  	[tilespmem:s13], [sflag:$0x2] =	stream.indirect.gather [hbm4b:s7+s8], $0x80, s12, s8, $0xb8;
	[tilespmem:$0x10400] =	vst v63  }
0x55: {  	_ =	swait.ge [sflag:s14], $0x4000  }
0x56: {  	[sflag:s14] =	ssyncset.done $0x0  }
0x57: {  	[sflag:s14] =	ssyncadd.s32 $0xFFFFC000  }
0x58: {  	_ =	swait.ge [sflag:s14], $0x4000  }
0x59: {  	[sflag:s14] =	ssyncset.done $0x0  }
0x5a: {  	[sflag:s14] =	ssyncadd.s32 $0xFFFFC000  }
0x5b: {  	[hbm4b:s15+s2] =	stream.linear.scatter [tilespmem:s9], [sflag:$0x3], $0x8000, $0x38;
	[tilespmem:$0x10400] =	vst v63  }
0x5c: {  	_ =	swait.ge [sflag:s16], $0x4000  }
0x5d: {  	[sflag:s16] =	ssyncset.done $0x0  }
0x5e: {  	[sflag:s16] =	ssyncadd.s32 $0xFFFFC000  }
0x5f: {  	_ =	swait.ge [sflag:s16], $0x4000  }
0x60: {  	[sflag:s16] =	ssyncset.done $0x0  }
0x61: {  	[sflag:s16] =	ssyncadd.s32 $0xFFFFC000  }
0x62: {  	[hbm4b:s18+s2] =	stream.linear.scatter [tilespmem:s11], [sflag:$0x3], $0x8000, $0x38;
	[tilespmem:$0x10400] =	vst v63  }
0x63: {  	_ =	swait.ge [sflag:s17], $0x8000  }
0x64: {  	[sflag:s17] =	ssyncset.done $0x0  }
0x65: {  	[sflag:s17] =	ssyncadd.s32 $0xFFFF8000  }
0x66: {  	_ =	swait.ge [sflag:s17], $0x8000  }
0x67: {  	[sflag:s17] =	ssyncset.done $0x0  }
0x68: {  	[sflag:s17] =	ssyncadd.s32 $0xFFFF8000  }
0x69: {  	[tilespmem:s9], [sflag:$0x1] =	stream.indirect.gather [hbm4b:s7+s8], $0x80, s19, s8, $0xb8;
	[tilespmem:$0x10400] =	vst v63  }
0x6a: {  	_ = 	snop  }
0x6b: {  	[tilespmem:s10], [sflag:$0x1] =	stream.indirect.gather [hbm4b:s7+s8], $0x80, s20, s8, $0xb8;
	[tilespmem:$0x10400] =	vst v63  }
0x6c: {  	_ = 	snop  }
0x6d: {  	[tilespmem:s11], [sflag:$0x2] =	stream.indirect.gather [hbm4b:s7+s8], $0x80, s21, s8, $0xb8;
	[tilespmem:$0x10400] =	vst v63  }
0x6e: {  	_ = 	snop  }
0x6f: {  	[tilespmem:s13], [sflag:$0x2] =	stream.indirect.gather [hbm4b:s7+s8], $0x80, s22, s8, $0xb8;
	[tilespmem:$0x10400] =	vst v63  }
0x70: {  	_ =	swait.ge [sflag:s14], $0x4000  }
0x71: {  	[sflag:s14] =	ssyncset.done $0x0  }
0x72: {  	[sflag:s14] =	ssyncadd.s32 $0xFFFFC000  }
0x73: {  	_ =	swait.ge [sflag:s14], $0x4000  }
0x74: {  	[sflag:s14] =	ssyncset.done $0x0  }
0x75: {  	[sflag:s14] =	ssyncadd.s32 $0xFFFFC000  }
0x76: {  	[hbm4b:s23+s2] =	stream.linear.scatter [tilespmem:s9], [sflag:$0x3], $0x8000, $0x38;
	[tilespmem:$0x10400] =	vst v63  }
0x77: {  	_ =	swait.ge [sflag:s16], $0x4000  }
0x78: {  	[sflag:s16] =	ssyncset.done $0x0  }
0x79: {  	[sflag:s16] =	ssyncadd.s32 $0xFFFFC000  }
0x7a: {  	_ =	swait.ge [sflag:s16], $0x4000  }
0x7b: {  	[sflag:s16] =	ssyncset.done $0x0  }
0x7c: {  	[sflag:s16] =	ssyncadd.s32 $0xFFFFC000  }
0x7d: {  	[hbm4b:s24+s2] =	stream.linear.scatter [tilespmem:s11], [sflag:$0x3], $0x8000, $0x38;
	[tilespmem:$0x10400] =	vst v63  }
.Ltmp1:
0x7e: {  	_ =	swait.ge [sflag:s17], $0x8000;
	(pc) =	sbr.rel @p0 .LBB2_1-.Ltmp1, $4  }
0x7f: {  	[sflag:s17] =	ssyncset.done $0x0  }
0x80: {  	[sflag:s17] =	ssyncadd.s32 $0xFFFF8000  }
0x81: {  	_ =	swait.ge [sflag:s17], $0x8000  }
0x82: {  	[sflag:s17] =	ssyncset.done $0x0  }
.LBB2_2:
0x83: {  	[sflag:s17] =	ssyncadd.s32 $0xFFFF8000  }
0x84: {  	_ =	sfence.sel $0x180000  }
0x85: {  	[bflag:$0x0] =	sbarrier.arrive $0xFFFF  }
0x86: {  	p0 =	sne.s32 s0, $0x0;
	_ =	strace $0x90000047  }
0x87: {  	s0 =	sadd.s32 @!p0 $0x100000, s1;
	[bflag:$0x2] =	sbarrier.arrive $0xFFFF  }
0x88: {  	[sflag:s0] =	ssyncadd.tile.s32 @!p0 $0x1;
	_ =	shalt  }
.Lfunc_end2:
_tile_overlayer_lowered:
.L_overlay_start_2:
0x89: {  	(tag) =	ssettag $0x2  }
0x8a: {  	s0 =	rddreg [dreg:$0x0];
	s2 =	stileid.u32  }
0x8b: {  	s1 =	rddreg [dreg:$0x1];
	p0 =	sne.s32 s2, $0x0  }
0x8c: {  	s3 =	rddreg [dreg:$0x2];
	[bflag:$0x3] =	sbarrier.arrive $0xFFFF;
	s2 =	simm.s32 @!p0 $0x1C04  }
0x8d: {  	[timem:s3], [sflag:s2] =	dma.local @!p0 [hbm:s0], s1  }
0x8e: {  	s0 =	simm.s32 @!p0 $0x4  }
0x8f: {  	_ =	swait.ge @!p0 [sflag:s0], s1  }
0x90: {  	s1 =	ssub.s32 @!p0 $0x0, s1;
	[sflag:s0] =	ssyncset.done @!p0 $0x0  }
0x91: {  	[sflag:s0] =	ssyncadd.s32 @!p0 s1  }
0x92: {  	[bflag:$0x3] =	sbarrier.arrive $0xFFFF  }
0x93: {  	_ =	shalt  }

</sc_bundles>
